<compile_context>
chip_gen: v7x
topology: tpu7x:2x2x1
jax: 0.10.2.dev20260603
libtpu: 0.0.44.dev20260713+nightly
codegen_flags: <defaults>
</compile_context>

<pallas_src>
import functools
import jax
import jax.numpy as jnp
from jax import lax
from jax.experimental import pallas as pl
from jax.experimental.pallas import tpu as pltpu
from jax.experimental.pallas import tpu_sc as plsc


def _sc_gather_coeffs(tab2, t):
  B = t.shape[0]
  T2 = tab2.shape[0]
  TP = T2 // 2
  info = plsc.get_sparse_core_info()
  nw = info.num_cores * info.num_subcores
  L = info.num_lanes
  b_per_w = B // nw
  mesh = plsc.VectorSubcoreMesh(core_axis_name="c", subcore_axis_name="s")

  @functools.partial(
      pl.kernel,
      out_type=(
          jax.ShapeDtypeStruct((B,), jnp.float32),
          jax.ShapeDtypeStruct((B,), jnp.float32),
      ),
      mesh=mesh,
      scratch_types=[
          pltpu.VMEM((T2,), jnp.float32),
          pltpu.VMEM((b_per_w,), jnp.int32),
          pltpu.VMEM((b_per_w,), jnp.float32),
          pltpu.VMEM((b_per_w,), jnp.float32),
          pltpu.SemaphoreType.DMA,
          pltpu.SemaphoreType.DMA,
          pltpu.SemaphoreType.DMA,
          pltpu.SemaphoreType.DMA,
      ],
      compiler_params=pltpu.CompilerParams(needs_layout_passes=False, skip_device_barrier=True),
  )
  def gather_kernel(tab_hbm, t_hbm, osa_hbm, os1a_hbm,
                    tab_v, idx_v, osa_v, os1a_v, sem0, sem1, sem2, sem3):
    wid = lax.axis_index("s") * info.num_cores + lax.axis_index("c")
    base = wid * b_per_w
    cp_tab = pltpu.async_copy(tab_hbm, tab_v, sem0)
    cp_idx = pltpu.async_copy(t_hbm.at[pl.ds(base, b_per_w)], idx_v, sem1)
    cp_tab.wait()
    cp_idx.wait()
    for j in range(b_per_w // L):
      idx = idx_v[pl.ds(j * L, L)]
      osa_v[pl.ds(j * L, L)] = plsc.load_gather(tab_v, [idx])
      os1a_v[pl.ds(j * L, L)] = plsc.load_gather(tab_v, [idx + TP])
    cp_osa = pltpu.async_copy(osa_v, osa_hbm.at[pl.ds(base, b_per_w)], sem2)
    cp_os1a = pltpu.async_copy(os1a_v, os1a_hbm.at[pl.ds(base, b_per_w)], sem3)
    cp_osa.wait()
    cp_os1a.wait()

  return gather_kernel(tab2, t)


def _blend_body(sa_ref, s1a_ref, x_ref, n_ref, o_ref):
  o_ref[...] = sa_ref[...] * x_ref[...] + s1a_ref[...] * n_ref[...]


def _tc_blend(sa, s1a, xt, nt, blk):
  D, B = xt.shape
  grid = (D // blk,)
  return pl.pallas_call(
      _blend_body,
      grid=grid,
      in_specs=[
          pl.BlockSpec((1, B), lambda i: (0, 0)),
          pl.BlockSpec((1, B), lambda i: (0, 0)),
          pl.BlockSpec((blk, B), lambda i: (i, 0)),
          pl.BlockSpec((blk, B), lambda i: (i, 0)),
      ],
      out_specs=pl.BlockSpec((blk, B), lambda i: (i, 0)),
      out_shape=jax.ShapeDtypeStruct((D, B), jnp.float32),
      compiler_params=pltpu.CompilerParams(
          dimension_semantics=("arbitrary",),
          skip_device_barrier=True,
      ),
  )(sa, s1a, xt, nt)


@jax.jit
def kernel(x_start, noise, t, sqrt_alphas_cumprod, sqrt_one_minus_alphas_cumprod):
  B, C, H, W = x_start.shape
  D = C * H * W
  T = sqrt_alphas_cumprod.shape[0]
  TP = (T + 127) // 128 * 128
  tab2 = jnp.zeros((2 * TP,), jnp.float32)
  tab2 = lax.dynamic_update_slice(tab2, sqrt_alphas_cumprod, (0,))
  tab2 = lax.dynamic_update_slice(tab2, sqrt_one_minus_alphas_cumprod, (TP,))
  sa_g, s1a_g = _sc_gather_coeffs(tab2, t)
  xt = jnp.transpose(x_start, (1, 2, 3, 0)).reshape(D, B)
  nt = jnp.transpose(noise, (1, 2, 3, 0)).reshape(D, B)
  out = _tc_blend(sa_g.reshape(1, B), s1a_g.reshape(1, B), xt, nt, blk=1024)
  return jnp.transpose(out.reshape(C, H, W, B), (3, 0, 1, 2))

# --- scband reference (transcript-rebuilt; emitter-appended) ---
"""Pipeline reference for scband-ddpmscheduler-54099408061018 (READ-ONLY COPY).

The authoritative reference and input builder live on the scoring server;
editing this copy changes nothing except your own understanding.
"""

import math
import jax, jax.numpy as jnp
import numpy as np

T = 1000
B = 1024
IMG = (B, 4, 64, 64)

def _make_tables(timesteps=T, s=0.008):
    steps = timesteps + 1
    x = jnp.linspace(0.0, float(timesteps), steps)
    alphas_cumprod = jnp.cos((x / timesteps + s) / (1 + s) * math.pi * 0.5) ** 2
    alphas_cumprod = alphas_cumprod / alphas_cumprod[0]
    betas = 1.0 - alphas_cumprod[1:] / alphas_cumprod[:-1]
    betas = jnp.clip(betas, 0.0001, 0.9999)
    alphas = 1.0 - betas
    acp = jnp.cumprod(alphas)
    sqrt_alphas_cumprod = jnp.sqrt(acp)
    sqrt_one_minus_alphas_cumprod = jnp.sqrt(1.0 - acp)
    return sqrt_alphas_cumprod.astype(jnp.float32), sqrt_one_minus_alphas_cumprod.astype(jnp.float32)

def setup_inputs(seed: int = 0) -> dict:
    key = jax.random.key(seed)
    k1, k2, k3 = jax.random.split(key, 3)
    x_start = jax.random.normal(k1, IMG, dtype=jnp.float32)
    noise = jax.random.normal(k2, IMG, dtype=jnp.float32)
    t = jax.random.randint(k3, (B,), 0, T, dtype=jnp.int32)
    sa_tab, s1a_tab = _make_tables()
    return {"x_start": x_start, "noise": noise, "t": t,
            "sqrt_alphas_cumprod": sa_tab,
            "sqrt_one_minus_alphas_cumprod": s1a_tab}

def reference(x_start, noise, t, sqrt_alphas_cumprod, sqrt_one_minus_alphas_cumprod):
    # q_sample: gather per-timestep coefficients (embedding-style lookup) and blend
    sa = jnp.take(sqrt_alphas_cumprod, t, axis=0).reshape(t.shape[0], 1, 1, 1)
    s1a = jnp.take(sqrt_one_minus_alphas_cumprod, t, axis=0).reshape(t.shape[0], 1, 1, 1)
    return sa * x_start + s1a * noise

if __name__ == "__main__":
    import jax
    _d = setup_inputs()
    print(jax.jit(kernel)(*tuple(_d.values())))

</pallas_src>

<mosaic_0001>
#map = affine_map<(d0, d1) -> (0)>
module attributes {stable_mosaic.version = 14 : i64} {
  func.func @gather_kernel(%arg0: i32, %arg1: i32, %arg2: memref<2048xf32, #tpu.memory_space<hbm>>, %arg3: memref<1024xi32, #tpu.memory_space<hbm>>, %arg4: memref<1024xf32, #tpu.memory_space<hbm>>, %arg5: memref<1024xf32, #tpu.memory_space<hbm>>, %arg6: memref<2048xf32, #tpu.memory_space<vmem>>, %arg7: memref<32xi32, #tpu.memory_space<vmem>>, %arg8: memref<32xf32, #tpu.memory_space<vmem>>, %arg9: memref<32xf32, #tpu.memory_space<vmem>>, %arg10: memref<!tpu.dma_semaphore, #tpu.memory_space<semaphore_mem>>, %arg11: memref<!tpu.dma_semaphore, #tpu.memory_space<semaphore_mem>>, %arg12: memref<!tpu.dma_semaphore, #tpu.memory_space<semaphore_mem>>, %arg13: memref<!tpu.dma_semaphore, #tpu.memory_space<semaphore_mem>>) attributes {dimension_semantics = [#tpu.dimension_semantics<core_parallel>, #tpu.dimension_semantics<subcore_parallel>], iteration_bounds = array<i64: 2, 16>, scalar_prefetch = 0 : i64, scratch_operands = 8 : i64, tpu.core_type = #tpu.core_type<sc_vector_subcore>, window_params = [{transform_indices = #map}, {transform_indices = #map}, {transform_indices = #map}, {transform_indices = #map}]} {
    %mul3A = arith.constant 2 : i32
    %mul3A_0 = arith.muli %arg1, %mul3A : i32
    %add3A = arith.addi %mul3A_0, %arg0 : i32
    %mul3A_1 = arith.constant 32 : i32
    %mul3A_2 = arith.muli %add3A, %mul3A_1 : i32
    tpu.enqueue_dma source(%arg2 : memref<2048xf32, #tpu.memory_space<hbm>>) target(%arg6 : memref<2048xf32, #tpu.memory_space<vmem>>) target_semaphore(%arg10 : memref<!tpu.dma_semaphore, #tpu.memory_space<semaphore_mem>>)
    %dma_start3A = tpu.memref_slice %arg3[%mul3A_2] : memref<1024xi32, #tpu.memory_space<hbm>> -> memref<32xi32, #tpu.memory_space<hbm>>
    %dma_start3A_3 = tpu.memref_slice %arg3[%mul3A_2] : memref<1024xi32, #tpu.memory_space<hbm>> -> memref<32xi32, #tpu.memory_space<hbm>>
    tpu.enqueue_dma source(%dma_start3A_3 : memref<32xi32, #tpu.memory_space<hbm>>) target(%arg7 : memref<32xi32, #tpu.memory_space<vmem>>) target_semaphore(%arg11 : memref<!tpu.dma_semaphore, #tpu.memory_space<semaphore_mem>>)
    tpu.wait_dma2 semaphore(%arg10 : memref<!tpu.dma_semaphore, #tpu.memory_space<semaphore_mem>>) src(%arg2 : memref<2048xf32, #tpu.memory_space<hbm>>) dst(%arg6 : memref<2048xf32, #tpu.memory_space<vmem>>)
    %dma_wait3A = tpu.memref_slice %arg3[%mul3A_2] : memref<1024xi32, #tpu.memory_space<hbm>> -> memref<32xi32, #tpu.memory_space<hbm>>
    %dma_wait3A_4 = tpu.memref_slice %arg3[%mul3A_2] : memref<1024xi32, #tpu.memory_space<hbm>> -> memref<32xi32, #tpu.memory_space<hbm>>
    tpu.wait_dma2 semaphore(%arg11 : memref<!tpu.dma_semaphore, #tpu.memory_space<semaphore_mem>>) src(%dma_wait3A_4 : memref<32xi32, #tpu.memory_space<hbm>>) dst(%arg7 : memref<32xi32, #tpu.memory_space<vmem>>)
    %get3A = arith.constant 0 : index
    %get3A_5 = tpu.vector_load %arg7[%get3A] {strides = array<i32>} : memref<32xi32, #tpu.memory_space<vmem>>, vector<16xi32>,
    %gather3A = tpu.vector_load_idx %arg6[%get3A_5] : memref<2048xf32, #tpu.memory_space<vmem>>[vector<16xi32>], vector<16xf32>,
    %swap3A = arith.constant 0 : index
    %swap3A_6 = tpu.vector_load %arg8[%swap3A] {strides = array<i32>} : memref<32xf32, #tpu.memory_space<vmem>>, vector<16xf32>,
    tpu.vector_store %arg8[%swap3A], %gather3A {strides = array<i32>} : memref<32xf32, #tpu.memory_space<vmem>>, vector<16xf32>,
    %add3A_7 = arith.constant 1024 : i32
    %add3A_8 = vector.broadcast %add3A_7 : i32 to vector<16xi32>
    %add3A_9 = arith.addi %get3A_5, %add3A_8 : vector<16xi32>
    %gather3A_10 = tpu.vector_load_idx %arg6[%add3A_9] : memref<2048xf32, #tpu.memory_space<vmem>>[vector<16xi32>], vector<16xf32>,
    %swap3A_11 = arith.constant 0 : index
    %swap3A_12 = tpu.vector_load %arg9[%swap3A_11] {strides = array<i32>} : memref<32xf32, #tpu.memory_space<vmem>>, vector<16xf32>,
    tpu.vector_store %arg9[%swap3A_11], %gather3A_10 {strides = array<i32>} : memref<32xf32, #tpu.memory_space<vmem>>, vector<16xf32>,
    %get3A_13 = arith.constant 16 : index
    %get3A_14 = tpu.vector_load %arg7[%get3A_13] {strides = array<i32>} : memref<32xi32, #tpu.memory_space<vmem>>, vector<16xi32>,
    %gather3A_15 = tpu.vector_load_idx %arg6[%get3A_14] : memref<2048xf32, #tpu.memory_space<vmem>>[vector<16xi32>], vector<16xf32>,
    %swap3A_16 = arith.constant 16 : index
    %swap3A_17 = tpu.vector_load %arg8[%swap3A_16] {strides = array<i32>} : memref<32xf32, #tpu.memory_space<vmem>>, vector<16xf32>,
    tpu.vector_store %arg8[%swap3A_16], %gather3A_15 {strides = array<i32>} : memref<32xf32, #tpu.memory_space<vmem>>, vector<16xf32>,
    %add3A_18 = arith.constant 1024 : i32
    %add3A_19 = vector.broadcast %add3A_18 : i32 to vector<16xi32>
    %add3A_20 = arith.addi %get3A_14, %add3A_19 : vector<16xi32>
    %gather3A_21 = tpu.vector_load_idx %arg6[%add3A_20] : memref<2048xf32, #tpu.memory_space<vmem>>[vector<16xi32>], vector<16xf32>,
    %swap3A_22 = arith.constant 16 : index
    %swap3A_23 = tpu.vector_load %arg9[%swap3A_22] {strides = array<i32>} : memref<32xf32, #tpu.memory_space<vmem>>, vector<16xf32>,
    tpu.vector_store %arg9[%swap3A_22], %gather3A_21 {strides = array<i32>} : memref<32xf32, #tpu.memory_space<vmem>>, vector<16xf32>,
    %dma_start3A_24 = tpu.memref_slice %arg4[%mul3A_2] : memref<1024xf32, #tpu.memory_space<hbm>> -> memref<32xf32, #tpu.memory_space<hbm>>
    %dma_start3A_25 = tpu.memref_slice %arg4[%mul3A_2] : memref<1024xf32, #tpu.memory_space<hbm>> -> memref<32xf32, #tpu.memory_space<hbm>>
    tpu.enqueue_dma source(%arg8 : memref<32xf32, #tpu.memory_space<vmem>>) target(%dma_start3A_25 : memref<32xf32, #tpu.memory_space<hbm>>) target_semaphore(%arg12 : memref<!tpu.dma_semaphore, #tpu.memory_space<semaphore_mem>>)
    %dma_start3A_26 = tpu.memref_slice %arg5[%mul3A_2] : memref<1024xf32, #tpu.memory_space<hbm>> -> memref<32xf32, #tpu.memory_space<hbm>>
    %dma_start3A_27 = tpu.memref_slice %arg5[%mul3A_2] : memref<1024xf32, #tpu.memory_space<hbm>> -> memref<32xf32, #tpu.memory_space<hbm>>
    tpu.enqueue_dma source(%arg9 : memref<32xf32, #tpu.memory_space<vmem>>) target(%dma_start3A_27 : memref<32xf32, #tpu.memory_space<hbm>>) target_semaphore(%arg13 : memref<!tpu.dma_semaphore, #tpu.memory_space<semaphore_mem>>)
    %dma_wait3A_28 = tpu.memref_slice %arg4[%mul3A_2] : memref<1024xf32, #tpu.memory_space<hbm>> -> memref<32xf32, #tpu.memory_space<hbm>>
    %dma_wait3A_29 = tpu.memref_slice %arg4[%mul3A_2] : memref<1024xf32, #tpu.memory_space<hbm>> -> memref<32xf32, #tpu.memory_space<hbm>>
    tpu.wait_dma2 semaphore(%arg12 : memref<!tpu.dma_semaphore, #tpu.memory_space<semaphore_mem>>) src(%arg8 : memref<32xf32, #tpu.memory_space<vmem>>) dst(%dma_wait3A_29 : memref<32xf32, #tpu.memory_space<hbm>>)
    %dma_wait3A_30 = tpu.memref_slice %arg5[%mul3A_2] : memref<1024xf32, #tpu.memory_space<hbm>> -> memref<32xf32, #tpu.memory_space<hbm>>
    %dma_wait3A_31 = tpu.memref_slice %arg5[%mul3A_2] : memref<1024xf32, #tpu.memory_space<hbm>> -> memref<32xf32, #tpu.memory_space<hbm>>
    tpu.wait_dma2 semaphore(%arg13 : memref<!tpu.dma_semaphore, #tpu.memory_space<semaphore_mem>>) src(%arg9 : memref<32xf32, #tpu.memory_space<vmem>>) dst(%dma_wait3A_31 : memref<32xf32, #tpu.memory_space<hbm>>)
    return
  }
}

module attributes {stable_mosaic.version = 14 : i64} {
  func.func @_blend_body(%arg0: i32, %arg1: memref<1x1024xf32, #tpu.memory_space<vmem>>, %arg2: memref<1x1024xf32, #tpu.memory_space<vmem>>, %arg3: memref<1024x1024xf32, #tpu.memory_space<vmem>>, %arg4: memref<1024x1024xf32, #tpu.memory_space<vmem>>, %arg5: memref<1024x1024xf32, #tpu.memory_space<vmem>>) attributes {dimension_semantics = [#tpu.dimension_semantics<arbitrary>], iteration_bounds = array<i64: 16>, scalar_prefetch = 0 : i64, scratch_operands = 0 : i64, tpu.core_type = #tpu.core_type<tc>, window_params = [{pipeline_mode = #tpu.pipeline_mode<synchronous>, transform_indices = @transform_0, window_bounds = array<i64: 1, 1024>}, {pipeline_mode = #tpu.pipeline_mode<synchronous>, transform_indices = @transform_1, window_bounds = array<i64: 1, 1024>}, {transform_indices = @transform_2, window_bounds = array<i64: 1024, 1024>}, {transform_indices = @transform_3, window_bounds = array<i64: 1024, 1024>}, {transform_indices = @transform_4, window_bounds = array<i64: 1024, 1024>}]} {
    %get3A = arith.constant 0 : index
    %get3A_0 = arith.constant 0 : index
    %get3A_1 = vector.load %arg1[%get3A, %get3A_0] : memref<1x1024xf32, #tpu.memory_space<vmem>>, vector<1x1024xf32>
    %get3A_2 = arith.constant 0 : index
    %get3A_3 = arith.constant 0 : index
    %get3A_4 = vector.load %arg3[%get3A_2, %get3A_3] : memref<1024x1024xf32, #tpu.memory_space<vmem>>, vector<1024x1024xf32>
    %mul3A = vector.broadcast %get3A_1 : vector<1x1024xf32> to vector<1024x1024xf32>
    %mul3A_5 = arith.mulf %mul3A, %get3A_4 : vector<1024x1024xf32>
    %get3A_6 = arith.constant 0 : index
    %get3A_7 = arith.constant 0 : index
    %get3A_8 = vector.load %arg2[%get3A_6, %get3A_7] : memref<1x1024xf32, #tpu.memory_space<vmem>>, vector<1x1024xf32>
    %get3A_9 = arith.constant 0 : index
    %get3A_10 = arith.constant 0 : index
    %get3A_11 = vector.load %arg4[%get3A_9, %get3A_10] : memref<1024x1024xf32, #tpu.memory_space<vmem>>, vector<1024x1024xf32>
    %mul3A_12 = vector.broadcast %get3A_8 : vector<1x1024xf32> to vector<1024x1024xf32>
    %mul3A_13 = arith.mulf %mul3A_12, %get3A_11 : vector<1024x1024xf32>
    %add3A = arith.addf %mul3A_5, %mul3A_13 : vector<1024x1024xf32>
    %swap3A = arith.constant 0 : index
    %swap3A_14 = arith.constant 0 : index
    %swap3A_15 = vector.load %arg5[%swap3A, %swap3A_14] : memref<1024x1024xf32, #tpu.memory_space<vmem>>, vector<1024x1024xf32>
    tpu.vector_store %arg5[%swap3A, %swap3A_14], %add3A {strides = array<i32>} : memref<1024x1024xf32, #tpu.memory_space<vmem>>, vector<1024x1024xf32>,
    return
  }
  func.func @transform_0(%arg0: i32) -> (i32, i32) {
    %c0_i32 = arith.constant 0 : i32
    %c0_i32_0 = arith.constant 0 : i32
    %c0_i32_1 = arith.constant 0 : i32
    return %c0_i32, %c0_i32_0 : i32, i32
  }
  func.func @transform_1(%arg0: i32) -> (i32, i32) {
    %c0_i32 = arith.constant 0 : i32
    %c0_i32_0 = arith.constant 0 : i32
    %c0_i32_1 = arith.constant 0 : i32
    return %c0_i32, %c0_i32_0 : i32, i32
  }
  func.func @transform_2(%arg0: i32) -> (i32, i32) {
    %c0_i32 = arith.constant 0 : i32
    %c0_i32_0 = arith.constant 0 : i32
    return %arg0, %c0_i32 : i32, i32
  }
  func.func @transform_3(%arg0: i32) -> (i32, i32) {
    %c0_i32 = arith.constant 0 : i32
    %c0_i32_0 = arith.constant 0 : i32
    return %arg0, %c0_i32 : i32, i32
  }
  func.func @transform_4(%arg0: i32) -> (i32, i32) {
    %c0_i32 = arith.constant 0 : i32
    %c0_i32_0 = arith.constant 0 : i32
    return %arg0, %c0_i32 : i32, i32
  }
}

</mosaic_0001>

<sc_bundles>
// kernel: kernel.4.cloned.1.call-start
scs
__scs_entry_jumppad:
0x0: {  	(pc) =	sbr.rel $0x88, $3  }
0x1: {  	(tag) =	ssettag $0x0;
	lr =	simm.s32 $0x1  }
0x2: {  	[smem:$0x3F9C] =	sst lr;
	_ =	strace $0xD0000000  }
0x3: {  	_ = 	snop  }
0x4: {  	_ = 	snop  }
0x5: {  	_ = 	snop  }
0x6: {  	_ = 	snop  }
0x7: {  	_ = 	snop  }
__scs_overlays_trampoline_lowered:
0x8: {  	[smem:$0x3FAB] =	sst s0  }
0x9: {  	[smem:$0x3FAC] =	sst s1  }
0xa: {  	[smem:$0x3FAD] =	sst s2  }
0xb: {  	[smem:$0x3FAE] =	sst s3  }
0xc: {  	[smem:$0x3FAF] =	sst s4  }
0xd: {  	[smem:$0x3FB0] =	sst s5  }
0xe: {  	[smem:$0x3FB1] =	sst s6  }
0xf: {  	[smem:$0x3FB2] =	sst s7  }
0x10: {  	[smem:$0x3FB3] =	sst s8  }
0x11: {  	[smem:$0x3FB4] =	sst s9;
	s0 =	simm.s32 @!p0 $0x0  }
0x12: {  	s1 =	sld [smem:$0x3F9A];
	s0 =	simm.s32 @p0 $0x1  }
0x13: {  	[smem:$0x3FB5] =	sst s0;
	s0 =	simm.s32 @!p1 $0x0  }
0x14: {  	s2 =	sld [smem:$0x3F99];
	s0 =	simm.s32 @p1 $0x1  }
0x15: {  	[smem:$0x3FB6] =	sst s0;
	s0 =	simm.s32 @!p2 $0x0  }
0x16: {  	s3 =	sld [smem:$0x3FDB];
	s0 =	simm.s32 @p2 $0x1  }
0x17: {  	s4 =	simm.s32 $0x1BF5;
	[smem:$0x3FB8] =	sst s0  }
0x18: {  	s0 =	sld [smem:$0x3F9B];
	_ =	swait.ge [sflag:s4], $0x0  }
0x19: {  	s7 =	sld [smem:$0x3F9C]  }
0x1a: {  	s8 =	sadd.s32 $0xFFFFE003, lr  }
0x1b: {  	s9 =	sadd.s32 $0xFFFFFEF7, lr;
	s5 =	simm.s32 $0xFFFFFFFF;
	p2 =	slt.u32 s8, $0xFFFFF086  }
0x1c: {  	p1 =	slt.u32 s9, $0xF7A;
	s5 =	simm.s32 @!p2 $0x0  }
0x1d: {  	s5 =	simm.s32 @p1 $0x1;
	p0 =	seq.s32 s7, s2  }
0x1e: {  	s7 =	smul.u32 @!p0 $0xF7A, s2;
	p2 =	seq.s32 @!p0 s5, $0x0  }
0x1f: {  	s9 =	smul.u32 $0xF7A, s1;
	s8 =	simm.s32 @!p0 $0x1BF5;
	p2 =	por !p2, p0  }
0x20: {  	[sflag:s8] =	ssyncset.s32 @!p0 $0xFFFFF086;
	s6 =	sadd.s32 @!p0 s3, s7;
	s7 =	simm.s32 @!p0 $0x108  }
0x21: {  	s3 =	sadd.s32 s3, s9;
	s6 =	sadd.s32 @!p0 $0x88, s6;
	s7 =	simm.s32 @p2 $0x1082  }
0x22: {  	[simem:s7], [sflag:s8] =	dma.local @!p0 [hbm:s6], $0xF7A  }
0x23: {  	s9 =	sor.u32 $0xD0000000, s2;
	s6 =	simm.s32 $0x108;
	_ =	swait.ge @!p0 [sflag:s8], $0x0  }
0x24: {  	s3 =	sadd.s32 $0x88, s3;
	s6 =	simm.s32 @!p1 $0x1082;
	[sflag:s4] =	ssyncset.s32 $0xFFFFF086  }
0x25: {  	[simem:s6], [sflag:s4] =	dma.local [hbm:s3], $0xF7A  }
0x26: {  	[smem:$0x3F9C] =	sst s1;
	(tag) =	ssettag s2;
	_ =	strace s9  }
0x27: {  	s1 =	sld [smem:$0x3FAC]  }
0x28: {  	s2 =	sld [smem:$0x3FAD]  }
0x29: {  	s4 =	sld [smem:$0x3FAF]  }
0x2a: {  	p0 =	seq.s32 s5, $0x0;
	s5 =	sld [smem:$0x3FB0]  }
0x2b: {  	s6 =	sld [smem:$0x3FB1]  }
0x2c: {  	s7 =	sld [smem:$0x3FB2]  }
0x2d: {  	s3 =	simm.s32 $0x108;
	s8 =	sld [smem:$0x3FB3]  }
0x2e: {  	s3 =	simm.s32 @!p0 $0x1082;
	s9 =	sld [smem:$0x3FB4]  }
0x2f: {  	lr =	sadd.s32 s0, s3;
	s0 =	sld [smem:$0x3FAB]  }
0x30: {  	s3 =	sld [smem:$0x3FAE]  }
0x31: {  	[smem:$0x3FB7] =	sst s10  }
0x32: {  	s10 =	sld [smem:$0x3FB5];
	_ =	sdelay $0x3  }
0x33: {  	p0 =	seq.s32 s10, $0x1;
	s10 =	sld [smem:$0x3FB7];
	_ =	sdelay $0x3  }
0x34: {  	[smem:$0x3FB7] =	sst s10  }
0x35: {  	s10 =	sld [smem:$0x3FB6];
	_ =	sdelay $0x3  }
0x36: {  	p1 =	seq.s32 s10, $0x1;
	s10 =	sld [smem:$0x3FB7];
	_ =	sdelay $0x3  }
0x37: {  	[smem:$0x3FB7] =	sst s10  }
0x38: {  	s10 =	sld [smem:$0x3FB8]  }
0x39: {  	_ = 	snop;
	(pc) =	sbr.ind lr, $3  }
0x3a: {  	_ = 	snop  }
0x3b: {  	_ = 	snop  }
0x3c: {  	p2 =	seq.s32 s10, $0x1;
	s10 =	sld [smem:$0x3FB7]  }
0x3d: {  	_ =	shalt  }
0x3e: {  	_ =	shalt  }
0x3f: {  	_ =	shalt  }
0x40: {  	_ =	shalt  }
0x41: {  	_ =	shalt  }
0x42: {  	_ =	shalt  }
0x43: {  	_ =	shalt  }
0x44: {  	_ =	shalt  }
0x45: {  	_ =	shalt  }
0x46: {  	_ =	shalt  }
0x47: {  	_ =	shalt  }
0x48: {  	_ =	shalt  }
0x49: {  	_ =	shalt  }
0x4a: {  	_ =	shalt  }
0x4b: {  	_ =	shalt  }
0x4c: {  	_ =	shalt  }
0x4d: {  	_ =	shalt  }
0x4e: {  	_ =	shalt  }
0x4f: {  	_ =	shalt  }
0x50: {  	_ =	shalt  }
0x51: {  	_ =	shalt  }
0x52: {  	_ =	shalt  }
0x53: {  	_ =	shalt  }
0x54: {  	_ =	shalt  }
0x55: {  	_ =	shalt  }
0x56: {  	_ =	shalt  }
0x57: {  	_ =	shalt  }
0x58: {  	_ =	shalt  }
0x59: {  	_ =	shalt  }
0x5a: {  	_ =	shalt  }
0x5b: {  	_ =	shalt  }
0x5c: {  	_ =	shalt  }
0x5d: {  	_ =	shalt  }
0x5e: {  	_ =	shalt  }
0x5f: {  	_ =	shalt  }
0x60: {  	_ =	shalt  }
0x61: {  	_ =	shalt  }
0x62: {  	_ =	shalt  }
0x63: {  	_ =	shalt  }
0x64: {  	_ =	shalt  }
0x65: {  	_ =	shalt  }
0x66: {  	_ =	shalt  }
0x67: {  	_ =	shalt  }
0x68: {  	_ =	shalt  }
0x69: {  	_ =	shalt  }
0x6a: {  	_ =	shalt  }
0x6b: {  	_ =	shalt  }
0x6c: {  	_ =	shalt  }
0x6d: {  	_ =	shalt  }
0x6e: {  	_ =	shalt  }
0x6f: {  	_ =	shalt  }
0x70: {  	_ =	shalt  }
0x71: {  	_ =	shalt  }
0x72: {  	_ =	shalt  }
0x73: {  	_ =	shalt  }
0x74: {  	_ =	shalt  }
0x75: {  	_ =	shalt  }
0x76: {  	_ =	shalt  }
0x77: {  	_ =	shalt  }
0x78: {  	_ =	shalt  }
0x79: {  	_ =	shalt  }
0x7a: {  	_ =	shalt  }
0x7b: {  	_ =	shalt  }
0x7c: {  	_ =	shalt  }
0x7d: {  	_ =	shalt  }
0x7e: {  	_ =	shalt  }
0x7f: {  	_ =	shalt  }
0x80: {  	_ =	shalt  }
0x81: {  	_ =	shalt  }
0x82: {  	_ =	shalt  }
0x83: {  	_ =	shalt  }
0x84: {  	_ =	shalt  }
0x85: {  	_ =	shalt  }
0x86: {  	_ =	shalt  }
0x87: {  	_ =	shalt  }
.Lfunc_end0:
.L_simem_size_0:
called_computation_lowered:
.L_overlay_start_0:
0x88: {  	s2 =	sld [smem:$0x3FD9]  }
0x89: {  	s3 =	sld [smem:$0x3FFE];
	_ =	sdelay $0x1  }
0x8a: {  	s1 =	srdreg.scid  }
0x8b: {  	s0 =	sand.u32 $0x1, s1  }
0x8c: {  	s17 =	sshll.u32 s0, $0xA;
	s2 =	sadd.s32 s3, s2  }
0x8d: {  	s2 =	sadd.s32 s2, s17  }
0x8e: {  	[smem:$0x3FC3] =	sst s2  }
0x8f: {  	_ = 	snop  }
0x90: {  	s2 =	sld [smem:$0x3FC7]  }
0x91: {  	s18 =	sld [smem:$0x3FD0];
	(tm) =	ssettm $0x1  }
0x92: {  	s4 =	sld [smem:$0x3FFB];
	_ =	sdelay $0x3  }
0x93: {  	_ =	strace s4  }
0x94: {  	s4 =	sld [smem:$0x3FFC];
	_ =	sdelay $0x3  }
0x95: {  	_ =	strace s4  }
0x96: {  	s4 =	sld [smem:$0x3FFD];
	_ =	sdelay $0x3  }
0x97: {  	_ =	strace s4  }
0x98: {  	_ =	strace $0x8FFFFFFF  }
0x99: {  	s19 =	sld [smem:$0x3FDB];
	_ =	sdelay $0x1  }
0x9a: {  	s5 =	simm.s32 $_scs_section_size  }
0x9b: {  	s6 =	simm.s32 $_size__tile_overlayer_lowered;
	s7 =	simm.s32 $_tile_overlayer_lowered  }
0x9c: {  	s22 =	simm.s32 $0x1BFF;
	s21 =	sshll.u32 s7, $0x1;
	s4 =	sadd.s32 s5, s19  }
0x9d: {  	s8 =	simm.s32 $0x0;
	s20 =	sshll.u32 s6, $0x1;
	s6 =	sadd.s32 s21, s4  }
0x9e: {  	[timem:s8], [sflag:s22] =	dma.local [hbm:s6], s20  }
0x9f: {  	_ =	swait.ge [sflag:s22], s20  }
0xa0: {  	s5 =	ssub.s32 $0x0, s20;
	[sflag:s22] =	ssyncset.done $0x0  }
0xa1: {  	[sflag:s22] =	ssyncadd.s32 s5;
	_ =	sdelay $0x1  }
0xa2: {  	s23 =	simm.s32 $0x1B8B  }
0xa3: {  	_ =	swait.ge [sflag:s23], $0x1  }
0xa4: {  	[sflag:s23] =	ssyncset.done $0x0  }
0xa5: {  	s25 =	simm.s32 $0x1B8E;
	s24 =	sld [smem:$0x3FFE];
	[sflag:s23] =	ssyncadd.s32 $0xFFFFFFFF  }
0xa6: {  	s26 =	simm.s32 $execute0_lowered;
	[smem:$0x3FD2] =	sst s25  }
0xa7: {  	s6 =	sshll.u32 s26, $0x1;
	_ =	strace $0x80000046;
	[dreg:$0x1] =	wrdreg $0xFFFFFFFF  }
0xa8: {  	s28 =	simm.s32 $_size_execute0_lowered;
	s4 =	sadd.s32 s4, s6;
	[dreg:$0x0] =	wrdreg $0x0  }
0xa9: {  	s6 =	sshll.u32 s28, $0x1;
	[dreg:$0x2] =	wrdreg s4  }
0xaa: {  	[dreg:$0x3] =	wrdreg s6  }
0xab: {  	[dreg:$0x4] =	wrdreg $0xC0  }
0xac: {  	_ =	task [dreg:s8], $0x5FFFF  }
0xad: {  	[dreg:$0x1] =	wrdreg $0xFFFFFFFF  }
0xae: {  	[dreg:$0x0] =	wrdreg $0x60  }
0xaf: {  	[dreg:$0x2] =	wrdreg s18  }
0xb0: {  	[dreg:$0x3] =	wrdreg s2  }
0xb1: {  	[dreg:$0x4] =	wrdreg s24  }
0xb2: {  	[dreg:$0x5] =	wrdreg $0x9  }
0xb3: {  	_ =	task.clear_ibuf [dreg:s8], $0x6FFFF;
	_ =	strace $0x90000046  }
0xb4: {  	s29 =	simm.s32 $0x9;
	_ =	strace $0x80000048  }
0xb5: {  	_ =	swait.ge [sflag:s29], $0x1  }
0xb6: {  	[sflag:s29] =	ssyncadd.s32 $0xFFFFFFFF  }
0xb7: {  	_ =	strace $0x90000048  }
0xb8: {  	_ =	sfence  }
0xb9: {  	s30 =	sld [smem:$0x0];
	_ =	sdelay $0x2  }
0xba: {  	s31 =	sshll.u32 s1, $0xD;
	s1 =	sshrl.u32 s1, $0x2  }
0xbb: {  	s3 =	sand.u32 $0x4000, s31;
	s1 =	sadd.s32 s1, s30  }
0xbc: {  	s0 =	sor.u32 s3, s0;
	s1 =	sshll.u32 s1, $0x11  }
0xbd: {  	s0 =	sor.u32 s1, s0  }
0xbe: {  	s0 =	sadd.s32 $0x8F2B, s0  }
0xbf: {  	[sflag:s0] =	ssyncadd.remote.s32 $0x1  }
0xc0: {  	_ =	sfence.sel $0xFFFF  }
0xc1: {  	[dreg:$0x0] =	wrdreg $0xFFFFFFFF;
	(pc) =	sbr.abs _section_cstart, $3  }
0xc2: {  	[dreg:$0x1] =	wrdreg $0xFFFFFFFF  }
0xc3: {  	_ =	task.clear_ibuf [dreg:s8], $0x2FFFF;
	_ =	strace $0x9FFFFFFF  }
0xc4: {  	(tm) =	ssettm $0x7FFFFFFF  }
0xc5: {  	_ =	shalt  }
tec
execute0_lowered:
.L_overlay_start_1:
0x0: {  	(tag) =	ssettag $0x1  }
0x1: {  	s1 =	rddreg [dreg:$0x0]  }
0x2: {  	s4 =	rddreg [dreg:$0x1]  }
0x3: {  	s8 =	rddreg [dreg:$0x2];
	s5 =	srdreg.scid  }
0x4: {  	s3 =	simm.s32 $0x0;
	s2 =	stileid.u32;
	s9 =	sand.u32 $0x1, s5  }
0x5: {  	[smem:$0x7FF] =	sst s3;
	s31 =	sshll.u32 s2, $0x3;
	s6 =	sshll.u32 s9, $0x2  }
0x6: {  	s0 =	rddreg [dreg:$0x3];
	_ =	strace $0x80000047;
	s10 =	sor.u32 s6, s31  }
0x7: {  	[tilespmem:s3], [sflag:$0x1] =	stream.linear.gather [hbm4b:s1+s3], $0x800, $0x38;
	[tilespmem:$0x980] =	vst v63  }
0x8: {  	s5 =	simm.s32 $0x800;
	s6 =	simm.s32 $0x1;
	s4 =	sadd.s32 s4, s10  }
0x9: {  	[tilespmem:s5], [sflag:$0x2] =	stream.linear.gather [hbm4b:s4+s3], $0x20, $0x38;
	[tilespmem:$0x980] =	vst v63  }
0xa: {  	_ =	swait.ge [sflag:s6], $0x800  }
0xb: {  	[sflag:s6] =	ssyncset.done $0x0  }
0xc: {  	s7 =	simm.s32 $0x2;
	[sflag:s6] =	ssyncadd.s32 $0xFFFFF800  }
0xd: {  	_ =	swait.ge [sflag:s7], $0x20  }
0xe: {  	[sflag:s7] =	ssyncset.done $0x0  }
0xf: {  	[sflag:s7] =	ssyncadd.s32 $0xFFFFFFE0  }
0x10: {  	v0 =	vld [tilespmem:$0x800];
	_ =	sdelay $0x7  }
0x11: {  	v1 =	vld.idx.msk [tilespmem:v0+s3+$0x0], $0xffff  }
0x12: {  	v0 =	vadd.s32 $0x400, v0;
	_ =	sdelay $0x2  }
0x13: {  	v2 =	vld [tilespmem:$0x810]  }
0x14: {  	[tilespmem:$0x880] =	vst v1  }
0x15: {  	v0 =	vld.idx.msk [tilespmem:v0+s3+$0x0], $0xffff;
	_ =	sdelay $0x4  }
0x16: {  	[tilespmem:$0x900] =	vst v0  }
0x17: {  	v0 =	vld.idx.msk [tilespmem:v2+s3+$0x0], $0xffff  }
0x18: {  	v63 =	vadd.s32 $0x400, v2;
	_ =	sdelay $0x3  }
0x19: {  	[tilespmem:$0x890] =	vst v0  }
0x1a: {  	v0 =	vld.idx.msk [tilespmem:v63+s3+$0x0], $0xffff;
	_ =	sdelay $0x1  }
0x1b: {  	s13 =	ssub.s32 $0x2, s9  }
0x1c: {  	s14 =	sshrl.u32 s13, $0x1  }
0x1d: {  	s11 =	simm.s32 $0x900;
	s10 =	sadd.s32 s10, s8;
	s13 =	ssub.s32 s13, s14  }
0x1e: {  	s9 =	simm.s32 $0x880;
	s8 =	sadd.s32 $0xE00, s10;
	s14 =	smax.u32 s13, $0x1;
	[tilespmem:$0x910] =	vst v0  }
0x1f: {  	[hbm4b:s8+s3] =	stream.linear.scatter [tilespmem:s9], [sflag:$0x3], $0x20, $0x38;
	[tilespmem:$0x980] =	vst v63  }
0x20: {  	s12 =	simm.s32 $0x3;
	s10 =	sadd.s32 $0x1000, s10;
	p0 =	sne.s32 s14, $0x1  }
0x21: {  	[hbm4b:s10+s3] =	stream.linear.scatter [tilespmem:s11], [sflag:$0x4], $0x20, $0x38;
	[tilespmem:$0x980] =	vst v63  }
.Ltmp0:
0x22: {  	_ =	swait.ge [sflag:s12], $0x20;
	(pc) =	sbr.rel @!p0 .LBB2_2-.Ltmp0, $4  }
0x23: {  	[sflag:s12] =	ssyncset.done $0x0  }
0x24: {  	s13 =	simm.s32 $0x4;
	[sflag:s12] =	ssyncadd.s32 $0xFFFFFFE0  }
0x25: {  	_ =	swait.ge [sflag:s13], $0x20  }
0x26: {  	s14 =	sadd.s32 $0xFFFFFFFF, s14;
	[sflag:s13] =	ssyncset.done $0x0  }
.LBB2_1:
0x27: {  	p0 =	sne.s32 s14, $0x1;
	s14 =	sadd.s32 $0xFFFFFFFF, s14;
	[sflag:s13] =	ssyncadd.s32 $0xFFFFFFE0  }
0x28: {  	[tilespmem:s3], [sflag:$0x1] =	stream.linear.gather [hbm4b:s1+s3], $0x800, $0x38;
	[tilespmem:$0x980] =	vst v63  }
0x29: {  	_ = 	snop  }
0x2a: {  	[tilespmem:s5], [sflag:$0x2] =	stream.linear.gather [hbm4b:s4+s3], $0x20, $0x38;
	[tilespmem:$0x980] =	vst v63  }
0x2b: {  	_ =	swait.ge [sflag:s6], $0x800  }
0x2c: {  	[sflag:s6] =	ssyncset.done $0x0  }
0x2d: {  	[sflag:s6] =	ssyncadd.s32 $0xFFFFF800  }
0x2e: {  	_ =	swait.ge [sflag:s7], $0x20  }
0x2f: {  	[sflag:s7] =	ssyncset.done $0x0  }
0x30: {  	[sflag:s7] =	ssyncadd.s32 $0xFFFFFFE0  }
0x31: {  	v0 =	vld [tilespmem:$0x800];
	_ =	sdelay $0x7  }
0x32: {  	v1 =	vld.idx.msk [tilespmem:v0+s3+$0x0], $0xffff;
	_ =	sdelay $0x1  }
0x33: {  	v0 =	vadd.s32 $0x400, v0;
	_ =	sdelay $0x3  }
0x34: {  	[tilespmem:$0x880] =	vst v1;
	v1 =	vld [tilespmem:$0x810]  }
0x35: {  	v0 =	vld.idx.msk [tilespmem:v0+s3+$0x0], $0xffff;
	_ =	sdelay $0x5  }
0x36: {  	[tilespmem:$0x900] =	vst v0  }
0x37: {  	v0 =	vld.idx.msk [tilespmem:v1+s3+$0x0], $0xffff;
	_ =	sdelay $0x1  }
0x38: {  	v1 =	vadd.s32 $0x400, v1;
	_ =	sdelay $0x3  }
0x39: {  	[tilespmem:$0x890] =	vst v0  }
0x3a: {  	v0 =	vld.idx.msk [tilespmem:v1+s3+$0x0], $0xffff;
	_ =	sdelay $0x5  }
0x3b: {  	[tilespmem:$0x910] =	vst v0  }
0x3c: {  	[hbm4b:s8+s3] =	stream.linear.scatter [tilespmem:s9], [sflag:$0x3], $0x20, $0x38;
	[tilespmem:$0x980] =	vst v63  }
0x3d: {  	_ = 	snop  }
0x3e: {  	[hbm4b:s10+s3] =	stream.linear.scatter [tilespmem:s11], [sflag:$0x4], $0x20, $0x38;
	[tilespmem:$0x980] =	vst v63  }
.Ltmp1:
0x3f: {  	_ =	swait.ge [sflag:s12], $0x20;
	(pc) =	sbr.rel @p0 .LBB2_1-.Ltmp1, $4  }
0x40: {  	[sflag:s12] =	ssyncset.done $0x0  }
0x41: {  	[sflag:s12] =	ssyncadd.s32 $0xFFFFFFE0  }
0x42: {  	_ =	swait.ge [sflag:s13], $0x20  }
0x43: {  	[sflag:s13] =	ssyncset.done $0x0  }
.LBB2_2:
0x44: {  	[sflag:s13] =	ssyncadd.s32 $0xFFFFFFE0  }
0x45: {  	_ =	sfence.sel $0x180000  }
0x46: {  	[bflag:$0x0] =	sbarrier.arrive $0xFFFF  }
0x47: {  	p0 =	sne.s32 s2, $0x0;
	_ =	strace $0x90000047  }
0x48: {  	s0 =	sadd.s32 @!p0 $0x100000, s0;
	[bflag:$0x2] =	sbarrier.arrive $0xFFFF  }
0x49: {  	[sflag:s0] =	ssyncadd.tile.s32 @!p0 $0x1;
	_ =	shalt  }
.Lfunc_end2:
_tile_overlayer_lowered:
.L_overlay_start_2:
0x4a: {  	(tag) =	ssettag $0x2  }
0x4b: {  	s0 =	rddreg [dreg:$0x0];
	s2 =	stileid.u32  }
0x4c: {  	s1 =	rddreg [dreg:$0x1];
	p0 =	sne.s32 s2, $0x0  }
0x4d: {  	s3 =	rddreg [dreg:$0x2];
	[bflag:$0x3] =	sbarrier.arrive $0xFFFF;
	s2 =	simm.s32 @!p0 $0x1C05  }
0x4e: {  	[timem:s3], [sflag:s2] =	dma.local @!p0 [hbm:s0], s1  }
0x4f: {  	s0 =	simm.s32 @!p0 $0x5  }
0x50: {  	_ =	swait.ge @!p0 [sflag:s0], s1  }
0x51: {  	s1 =	ssub.s32 @!p0 $0x0, s1;
	[sflag:s0] =	ssyncset.done @!p0 $0x0  }
0x52: {  	[sflag:s0] =	ssyncadd.s32 @!p0 s1  }
0x53: {  	[bflag:$0x3] =	sbarrier.arrive $0xFFFF  }
0x54: {  	_ =	shalt  }

</sc_bundles>
